<compile_context>
chip_gen: v7x
topology: tpu7x:2x2x1
jax: 0.10.2.dev20260603
libtpu: 0.0.44.dev20260713+nightly
codegen_flags: <defaults>
</compile_context>

<pallas_src>
import functools

import jax
import jax.numpy as jnp
from jax import lax
from jax.experimental import pallas as pl
from jax.experimental.pallas import tpu as pltpu
from jax.experimental.pallas import tpu_sc as plsc

N = 100000
D = 128
H = 128
G = 512
B = 4096
NP = 102400
NB = NP // B
NSC = 32
CHUNK = NP // NSC
LANES = 16


def _tc_body(x_ref, idx_ref, vm_ref, w1_ref, b1_ref, w2_ref, b2_ref,
             ex_ref, out_ref, denom_ref, dacc, wxa):
    i = pl.program_id(0)
    h = jnp.tanh(
        lax.dot_general(x_ref[...], w1_ref[...], (((1,), (0,)), ((), ())),
                        preferred_element_type=jnp.float32) + b1_ref[...])
    s = lax.dot_general(h, w2_ref[...], (((1,), (0,)), ((), ())),
                        preferred_element_type=jnp.float32) + b2_ref[...]
    ex = jnp.where(s == s, jnp.exp(s), 0.0) * vm_ref[...]
    ex_ref[...] = ex

    idx_row = idx_ref[...].reshape(1, B)
    half_iota = lax.broadcasted_iota(jnp.int32, (G // 2, B), 0)

    @pl.when(i == 0)
    def _():
        dacc[...] = jnp.zeros_like(dacc)
        out_ref[...] = jnp.zeros_like(out_ref)
        wxa[...] = jnp.zeros_like(wxa)

    wxa[:, 0:D] = (x_ref[...] * ex).astype(jnp.bfloat16)
    wxa[:, D:D + 1] = ex.astype(jnp.bfloat16)
    wxv = wxa[...]

    oht = (half_iota == idx_row).astype(jnp.bfloat16)
    part = lax.dot_general(oht, wxv, (((1,), (0,)), ((), ())),
                           preferred_element_type=jnp.float32)
    out_ref[0:G // 2, :] += part[:, 0:D]
    dacc[0:G // 2, :] += part[:, D:D + 1]

    oht2 = (half_iota + G // 2 == idx_row).astype(jnp.bfloat16)
    part2 = lax.dot_general(oht2, wxv, (((1,), (0,)), ((), ())),
                            preferred_element_type=jnp.float32)
    out_ref[G // 2:G, :] += part2[:, 0:D]
    dacc[G // 2:G, :] += part2[:, D:D + 1]

    @pl.when(i == NB - 1)
    def _():
        d = dacc[...]
        denom_ref[...] = d
        out_ref[...] = out_ref[...] / (d + 1e-16)


def _tc_call(xp, idx3, vm, W1, b1r, W2, b2r):
    return pl.pallas_call(
        _tc_body,
        grid=(NB,),
        in_specs=[
            pl.BlockSpec((B, D), lambda i: (i, 0)),
            pl.BlockSpec((1, 1, B), lambda i: (i, 0, 0)),
            pl.BlockSpec((B, 1), lambda i: (i, 0)),
            pl.BlockSpec((D, H), lambda i: (0, 0)),
            pl.BlockSpec((1, H), lambda i: (0, 0)),
            pl.BlockSpec((H, 1), lambda i: (0, 0)),
            pl.BlockSpec((1, 1), lambda i: (0, 0)),
        ],
        out_specs=[
            pl.BlockSpec((B, 1), lambda i: (i, 0)),
            pl.BlockSpec((G, D), lambda i: (0, 0)),
            pl.BlockSpec((G, 1), lambda i: (0, 0)),
        ],
        out_shape=[
            jax.ShapeDtypeStruct((NP, 1), jnp.float32),
            jax.ShapeDtypeStruct((G, D), jnp.float32),
            jax.ShapeDtypeStruct((G, 1), jnp.float32),
        ],
        scratch_shapes=[pltpu.VMEM((G, 1), jnp.float32),
                        pltpu.VMEM((B, 2 * D), jnp.bfloat16)],
    )(xp, idx3, vm, W1, b1r, W2, b2r)


@functools.cache
def _alpha_sc_build():
    @functools.partial(
        pl.kernel,
        out_type=jax.ShapeDtypeStruct((NP,), jnp.float32),
        mesh=plsc.VectorSubcoreMesh(core_axis_name="c", subcore_axis_name="s"),
        scratch_types=[
            pltpu.VMEM((CHUNK,), jnp.float32),
            pltpu.VMEM((CHUNK,), jnp.int32),
            pltpu.VMEM((CHUNK,), jnp.float32),
            pltpu.VMEM_SHARED((G,), jnp.float32),
            pltpu.SemaphoreType.DMA,
        ],
    )
    def _alpha_sc(ex_hbm, idx_hbm, denom_hbm, alpha_hbm, ex_v, idx_v, dg_v,
                  den_sh, sem):
        sid = lax.axis_index("s")
        wid = sid * 2 + lax.axis_index("c")
        base = wid * CHUNK

        @pl.when(sid == 0)
        def _():
            pltpu.sync_copy(denom_hbm, den_sh)

        pltpu.sync_copy(idx_hbm.at[pl.ds(base, CHUNK)], idx_v)
        plsc.subcore_barrier()
        gat = pltpu.async_copy(den_sh.at[idx_v], dg_v, sem)
        pltpu.sync_copy(ex_hbm.at[pl.ds(base, CHUNK)], ex_v)
        gat.wait()

        def body(j, _):
            o = pl.multiple_of(j * LANES, LANES)
            ev = ex_v[pl.ds(o, LANES)]
            dv = dg_v[pl.ds(o, LANES)]
            ex_v[pl.ds(o, LANES)] = ev / (dv + 1e-16)
            return 0

        lax.fori_loop(0, CHUNK // LANES, body, 0)
        pltpu.sync_copy(ex_v, alpha_hbm.at[pl.ds(base, CHUNK)])

    return _alpha_sc


def kernel(x, batch_idx, dim_size, W1, b1, W2, b2):
    pad = NP - N
    bi = batch_idx.astype(jnp.int32)
    idxp = jnp.concatenate([bi, jnp.zeros((pad,), jnp.int32)])
    idx3 = jnp.concatenate([bi, jnp.full((pad,), G, jnp.int32)]
                           ).reshape(NB, 1, B)
    vm = (jnp.arange(NP, dtype=jnp.int32) < N
          ).astype(jnp.float32).reshape(NP, 1)
    ex_p, out, denom = _tc_call(x, idx3, vm, W1, b1.reshape(1, H),
                                W2.reshape(H, 1), b2.reshape(1, 1))
    alpha_p = _alpha_sc_build()(ex_p.reshape(NP), idxp, denom.reshape(G))
    return out, alpha_p[:N].reshape(N, 1)

# --- scband reference (transcript-rebuilt; emitter-appended) ---
"""Pipeline reference for scband-attention-aggregation-12790412607648 (READ-ONLY COPY).

The authoritative reference and input builder live on the scoring server;
editing this copy changes nothing except your own understanding.
"""

import jax, jax.numpy as jnp
import numpy as np


def setup_inputs(seed: int = 0) -> dict:
    key = jax.random.key(seed)
    k1, k2, k3, k4 = jax.random.split(key, 4)
    N, D, H, G = 100000, 128, 128, 512
    x = jax.random.normal(k1, (N, D), dtype=jnp.float32)
    batch_idx = jnp.sort(jax.random.randint(k2, (N,), 0, G))
    W1 = jax.random.normal(k3, (D, H), dtype=jnp.float32) * (1.0 / np.sqrt(D))
    b1 = jnp.zeros((H,), dtype=jnp.float32)
    W2 = jax.random.normal(k4, (H, 1), dtype=jnp.float32) * (1.0 / np.sqrt(H))
    b2 = jnp.zeros((1,), dtype=jnp.float32)
    return {"x": x, "batch_idx": batch_idx, "dim_size": G, "W1": W1, "b1": b1, "W2": W2, "b2": b2}


def reference(x, batch_idx, dim_size, W1, b1, W2, b2):
    num_segments = 512
    # attn_net: Linear -> Tanh -> Linear
    scores = jnp.tanh(x @ W1 + b1) @ W2 + b2  # [N, 1]
    s = scores[:, 0] + jnp.float32(0.0) * dim_size
    # pyg_softmax: segment-wise numerically-stable softmax
    seg_max = jax.ops.segment_max(s, batch_idx, num_segments=num_segments)
    shifted = s - seg_max[batch_idx]
    ex = jnp.exp(shifted)
    denom = jax.ops.segment_sum(ex, batch_idx, num_segments=num_segments)
    alpha = (ex / (denom[batch_idx] + 1e-16))[:, None]  # [N, 1]
    # scatter_add of weighted node features into per-graph slots
    out = jax.ops.segment_sum(x * alpha, batch_idx, num_segments=num_segments)  # [G, D]
    return (out, alpha)

if __name__ == "__main__":
    import jax
    _d = setup_inputs()
    print(jax.jit(kernel)(*tuple(_d.values())))

</pallas_src>

<mosaic_0001>
#map = affine_map<(d0, d1) -> (0)>
module attributes {stable_mosaic.version = 14 : i64} {
  func.func @_alpha_sc(%arg0: i32, %arg1: i32, %arg2: memref<102400xf32, #tpu.memory_space<hbm>>, %arg3: memref<102400xi32, #tpu.memory_space<hbm>>, %arg4: memref<512xf32, #tpu.memory_space<hbm>>, %arg5: memref<102400xf32, #tpu.memory_space<hbm>>, %arg6: memref<3200xf32, #tpu.memory_space<vmem>>, %arg7: memref<3200xi32, #tpu.memory_space<vmem>>, %arg8: memref<3200xf32, #tpu.memory_space<vmem>>, %arg9: memref<512xf32, #tpu.memory_space<vmem_shared>>, %arg10: memref<!tpu.dma_semaphore, #tpu.memory_space<semaphore_mem>>) attributes {dimension_semantics = [#tpu.dimension_semantics<core_parallel>, #tpu.dimension_semantics<subcore_parallel>], iteration_bounds = array<i64: 2, 16>, scalar_prefetch = 0 : i64, scratch_operands = 5 : i64, tpu.core_type = #tpu.core_type<sc_vector_subcore>, window_params = [{transform_indices = #map}, {transform_indices = #map}, {transform_indices = #map}, {transform_indices = #map}]} {
    %mul3A = arith.constant 2 : i32
    %mul3A_0 = arith.muli %arg1, %mul3A : i32
    %add3A = arith.addi %mul3A_0, %arg0 : i32
    %mul3A_1 = arith.constant 3200 : i32
    %mul3A_2 = arith.muli %add3A, %mul3A_1 : i32
    %eq3A = arith.constant 0 : i32
    %eq3A_3 = arith.cmpi eq, %arg1, %eq3A : i32
    %convert_element_type3A = arith.extui %eq3A_3 : i1 to i32
    %cond3A = arith.constant 0 : i32
    %cond3A_4 = arith.cmpi ne, %convert_element_type3A, %cond3A : i32
    scf.if %cond3A_4 {
      "tpu.region"() ({
        %run_scoped3A = tpu.sem_alloc : memref<!tpu.dma_semaphore, #tpu.memory_space<semaphore_mem>>
        tpu.enqueue_dma source(%arg4 : memref<512xf32, #tpu.memory_space<hbm>>) target(%arg9 : memref<512xf32, #tpu.memory_space<vmem_shared>>) target_semaphore(%run_scoped3A : memref<!tpu.dma_semaphore, #tpu.memory_space<semaphore_mem>>)
        tpu.wait_dma2 semaphore(%run_scoped3A : memref<!tpu.dma_semaphore, #tpu.memory_space<semaphore_mem>>) src(%arg4 : memref<512xf32, #tpu.memory_space<hbm>>) dst(%arg9 : memref<512xf32, #tpu.memory_space<vmem_shared>>)
        tpu.yield
      }) : () -> ()
    } else {
    }
    "tpu.region"() ({
      %run_scoped3A = tpu.sem_alloc : memref<!tpu.dma_semaphore, #tpu.memory_space<semaphore_mem>>
      %dma_start3A_13 = tpu.memref_slice %arg3[%mul3A_2] : memref<102400xi32, #tpu.memory_space<hbm>> -> memref<3200xi32, #tpu.memory_space<hbm>>
      %dma_start3A_14 = tpu.memref_slice %arg3[%mul3A_2] : memref<102400xi32, #tpu.memory_space<hbm>> -> memref<3200xi32, #tpu.memory_space<hbm>>
      tpu.enqueue_dma source(%dma_start3A_14 : memref<3200xi32, #tpu.memory_space<hbm>>) target(%arg7 : memref<3200xi32, #tpu.memory_space<vmem>>) target_semaphore(%run_scoped3A : memref<!tpu.dma_semaphore, #tpu.memory_space<semaphore_mem>>)
      %dma_wait3A_15 = tpu.memref_slice %arg3[%mul3A_2] : memref<102400xi32, #tpu.memory_space<hbm>> -> memref<3200xi32, #tpu.memory_space<hbm>>
      %dma_wait3A_16 = tpu.memref_slice %arg3[%mul3A_2] : memref<102400xi32, #tpu.memory_space<hbm>> -> memref<3200xi32, #tpu.memory_space<hbm>>
      tpu.wait_dma2 semaphore(%run_scoped3A : memref<!tpu.dma_semaphore, #tpu.memory_space<semaphore_mem>>) src(%dma_wait3A_16 : memref<3200xi32, #tpu.memory_space<hbm>>) dst(%arg7 : memref<3200xi32, #tpu.memory_space<vmem>>)
      tpu.yield
    }) : () -> ()
    %barrier3A = arith.constant 0 : index
    tpu.barrier barrier_id(%barrier3A)
    %dma_start3A = arith.constant 0 : i32
    %dma_start3A_5 = tpu.memref_slice %arg9[%dma_start3A] : memref<512xf32, #tpu.memory_space<vmem_shared>> -> memref<512xf32, #tpu.memory_space<vmem_shared>>
    tpu.enqueue_indirect_dma source(%dma_start3A_5 : memref<512xf32, #tpu.memory_space<vmem_shared>>) target(%arg8 : memref<3200xf32, #tpu.memory_space<vmem>>) offsets(%arg7 : memref<3200xi32, #tpu.memory_space<vmem>>) semaphore(%arg10 : memref<!tpu.dma_semaphore, #tpu.memory_space<semaphore_mem>>)
    "tpu.region"() ({
      %run_scoped3A = tpu.sem_alloc : memref<!tpu.dma_semaphore, #tpu.memory_space<semaphore_mem>>
      %dma_start3A_13 = tpu.memref_slice %arg2[%mul3A_2] : memref<102400xf32, #tpu.memory_space<hbm>> -> memref<3200xf32, #tpu.memory_space<hbm>>
      %dma_start3A_14 = tpu.memref_slice %arg2[%mul3A_2] : memref<102400xf32, #tpu.memory_space<hbm>> -> memref<3200xf32, #tpu.memory_space<hbm>>
      tpu.enqueue_dma source(%dma_start3A_14 : memref<3200xf32, #tpu.memory_space<hbm>>) target(%arg6 : memref<3200xf32, #tpu.memory_space<vmem>>) target_semaphore(%run_scoped3A : memref<!tpu.dma_semaphore, #tpu.memory_space<semaphore_mem>>)
      %dma_wait3A_15 = tpu.memref_slice %arg2[%mul3A_2] : memref<102400xf32, #tpu.memory_space<hbm>> -> memref<3200xf32, #tpu.memory_space<hbm>>
      %dma_wait3A_16 = tpu.memref_slice %arg2[%mul3A_2] : memref<102400xf32, #tpu.memory_space<hbm>> -> memref<3200xf32, #tpu.memory_space<hbm>>
      tpu.wait_dma2 semaphore(%run_scoped3A : memref<!tpu.dma_semaphore, #tpu.memory_space<semaphore_mem>>) src(%dma_wait3A_16 : memref<3200xf32, #tpu.memory_space<hbm>>) dst(%arg6 : memref<3200xf32, #tpu.memory_space<vmem>>)
      tpu.yield
    }) : () -> ()
    %dma_wait3A = arith.constant 0 : i32
    %dma_wait3A_6 = tpu.memref_slice %arg9[%dma_wait3A] : memref<512xf32, #tpu.memory_space<vmem_shared>> -> memref<512xf32, #tpu.memory_space<vmem_shared>>
    tpu.wait_indirect_dma semaphore(%arg10 : memref<!tpu.dma_semaphore, #tpu.memory_space<semaphore_mem>>) src(%dma_wait3A_6 : memref<512xf32, #tpu.memory_space<vmem_shared>>) dst(%arg8 : memref<3200xf32, #tpu.memory_space<vmem>>)
    %scan3A = arith.constant 0 : i32
    %scan3A_7 = arith.constant 0 : i32
    %scan3A_8 = arith.constant 200 : i32
    %scan3A_9 = arith.addi %scan3A_7, %scan3A_8 : i32
    %scan3A_10 = arith.constant 1 : i32
    %scan3A_11 = scf.for %scan3A_13 = %scan3A_7 to %scan3A_9 step %scan3A_10 iter_args(%scan3A_14 = %scan3A) -> (i32)  : i32 {
      %mul3A_15 = arith.constant 16 : i32
      %mul3A_16 = arith.muli %scan3A_13, %mul3A_15 : i32
      %multiple_of3A = tpu.assume_multiple %mul3A_16, 16 : i32
      %get3A = arith.index_cast %multiple_of3A : i32 to index
      %get3A_17 = tpu.vector_load %arg6[%get3A] {strides = array<i32>} : memref<3200xf32, #tpu.memory_space<vmem>>, vector<16xf32>,
      %get3A_18 = vector.shape_cast %get3A_17 : vector<16xf32> to vector<16xf32>
      %get3A_19 = arith.index_cast %multiple_of3A : i32 to index
      %get3A_20 = tpu.vector_load %arg8[%get3A_19] {strides = array<i32>} : memref<3200xf32, #tpu.memory_space<vmem>>, vector<16xf32>,
      %get3A_21 = vector.shape_cast %get3A_20 : vector<16xf32> to vector<16xf32>
      %add3A_22 = arith.constant 1.000000e-16 : f32
      %add3A_23 = vector.broadcast %add3A_22 : f32 to vector<16xf32>
      %add3A_24 = arith.addf %get3A_21, %add3A_23 : vector<16xf32>
      %div3A = arith.divf %get3A_18, %add3A_24 : vector<16xf32>
      %swap3A = arith.index_cast %multiple_of3A : i32 to index
      %swap3A_25 = tpu.vector_load %arg6[%swap3A] {strides = array<i32>} : memref<3200xf32, #tpu.memory_space<vmem>>, vector<16xf32>,
      %swap3A_26 = vector.shape_cast %swap3A_25 : vector<16xf32> to vector<16xf32>
      %swap3A_27 = vector.shape_cast %div3A : vector<16xf32> to vector<16xf32>
      tpu.vector_store %arg6[%swap3A], %swap3A_27 {strides = array<i32>} : memref<3200xf32, #tpu.memory_space<vmem>>, vector<16xf32>,
      %scan3A_28 = arith.constant 0 : i32
      scf.yield %scan3A_28 : i32
    }
    %scan3A_12 = arith.constant 200 : i32
    "tpu.region"() ({
      %run_scoped3A = tpu.sem_alloc : memref<!tpu.dma_semaphore, #tpu.memory_space<semaphore_mem>>
      %dma_start3A_13 = tpu.memref_slice %arg5[%mul3A_2] : memref<102400xf32, #tpu.memory_space<hbm>> -> memref<3200xf32, #tpu.memory_space<hbm>>
      %dma_start3A_14 = tpu.memref_slice %arg5[%mul3A_2] : memref<102400xf32, #tpu.memory_space<hbm>> -> memref<3200xf32, #tpu.memory_space<hbm>>
      tpu.enqueue_dma source(%arg6 : memref<3200xf32, #tpu.memory_space<vmem>>) target(%dma_start3A_14 : memref<3200xf32, #tpu.memory_space<hbm>>) target_semaphore(%run_scoped3A : memref<!tpu.dma_semaphore, #tpu.memory_space<semaphore_mem>>)
      %dma_wait3A_15 = tpu.memref_slice %arg5[%mul3A_2] : memref<102400xf32, #tpu.memory_space<hbm>> -> memref<3200xf32, #tpu.memory_space<hbm>>
      %dma_wait3A_16 = tpu.memref_slice %arg5[%mul3A_2] : memref<102400xf32, #tpu.memory_space<hbm>> -> memref<3200xf32, #tpu.memory_space<hbm>>
      tpu.wait_dma2 semaphore(%run_scoped3A : memref<!tpu.dma_semaphore, #tpu.memory_space<semaphore_mem>>) src(%arg6 : memref<3200xf32, #tpu.memory_space<vmem>>) dst(%dma_wait3A_16 : memref<3200xf32, #tpu.memory_space<hbm>>)
      tpu.yield
    }) : () -> ()
    return
  }
}

module attributes {stable_mosaic.version = 14 : i64} {
  func.func @_tc_body(%arg0: i32, %arg1: memref<4096x128xf32, #tpu.memory_space<vmem>>, %arg2: memref<1x1x4096xi32, #tpu.memory_space<vmem>>, %arg3: memref<4096x1xf32, #tpu.memory_space<vmem>>, %arg4: memref<128x128xf32, #tpu.memory_space<vmem>>, %arg5: memref<1x128xf32, #tpu.memory_space<vmem>>, %arg6: memref<128x1xf32, #tpu.memory_space<vmem>>, %arg7: memref<1x1xf32, #tpu.memory_space<vmem>>, %arg8: memref<4096x1xf32, #tpu.memory_space<vmem>>, %arg9: memref<512x128xf32, #tpu.memory_space<vmem>>, %arg10: memref<512x1xf32, #tpu.memory_space<vmem>>, %arg11: memref<512x1xf32, #tpu.memory_space<vmem>>, %arg12: memref<4096x256xbf16, #tpu.memory_space<vmem>>) attributes {dimension_semantics = [#tpu.dimension_semantics<arbitrary>], iteration_bounds = array<i64: 25>, scalar_prefetch = 0 : i64, scratch_operands = 2 : i64, tpu.core_type = #tpu.core_type<tc>, window_params = [{transform_indices = @transform_0, window_bounds = array<i64: 4096, 128>}, {transform_indices = @transform_1, window_bounds = array<i64: 1, 1, 4096>}, {transform_indices = @transform_2, window_bounds = array<i64: 4096, 1>}, {pipeline_mode = #tpu.pipeline_mode<synchronous>, transform_indices = @transform_3, window_bounds = array<i64: 128, 128>}, {pipeline_mode = #tpu.pipeline_mode<synchronous>, transform_indices = @transform_4, window_bounds = array<i64: 1, 128>}, {pipeline_mode = #tpu.pipeline_mode<synchronous>, transform_indices = @transform_5, window_bounds = array<i64: 128, 1>}, {pipeline_mode = #tpu.pipeline_mode<synchronous>, transform_indices = @transform_6, window_bounds = array<i64: 1, 1>}, {transform_indices = @transform_7, window_bounds = array<i64: 4096, 1>}, {pipeline_mode = #tpu.pipeline_mode<synchronous>, transform_indices = @transform_8, window_bounds = array<i64: 512, 128>}, {pipeline_mode = #tpu.pipeline_mode<synchronous>, transform_indices = @transform_9, window_bounds = array<i64: 512, 1>}]} {
    %get3A = arith.constant 0 : index
    %get3A_0 = arith.constant 0 : index
    %get3A_1 = vector.load %arg1[%get3A, %get3A_0] : memref<4096x128xf32, #tpu.memory_space<vmem>>, vector<4096x128xf32>
    %get3A_2 = arith.constant 0 : index
    %get3A_3 = arith.constant 0 : index
    %get3A_4 = vector.load %arg4[%get3A_2, %get3A_3] : memref<128x128xf32, #tpu.memory_space<vmem>>, vector<128x128xf32>
    %dot_general3A = arith.constant dense<0.000000e+00> : vector<4096x128xf32>
    %dot_general3A_5 = tpu.matmul %get3A_1, %get3A_4, %dot_general3A {dimension_numbers = #tpu.dot_dimension_numbers<[1], [0], [0], [1], [0, 0, 1, 1], [], []>, transpose_lhs_hint = false} : vector<4096x128xf32>, vector<128x128xf32>, vector<4096x128xf32> -> vector<4096x128xf32>
    %get3A_6 = arith.constant 0 : index
    %get3A_7 = arith.constant 0 : index
    %get3A_8 = vector.load %arg5[%get3A_6, %get3A_7] : memref<1x128xf32, #tpu.memory_space<vmem>>, vector<1x128xf32>
    %add3A = vector.broadcast %get3A_8 : vector<1x128xf32> to vector<4096x128xf32>
    %add3A_9 = arith.addf %dot_general3A_5, %add3A : vector<4096x128xf32>
    %tanh3A = math.tanh %add3A_9 : vector<4096x128xf32>
    %get3A_10 = arith.constant 0 : index
    %get3A_11 = arith.constant 0 : index
    %get3A_12 = vector.load %arg6[%get3A_10, %get3A_11] : memref<128x1xf32, #tpu.memory_space<vmem>>, vector<128x1xf32>
    %dot_general3A_13 = arith.constant dense<0.000000e+00> : vector<4096x1xf32>
    %dot_general3A_14 = tpu.matmul %tanh3A, %get3A_12, %dot_general3A_13 {dimension_numbers = #tpu.dot_dimension_numbers<[1], [0], [0], [1], [0, 0, 1, 1], [], []>, transpose_lhs_hint = false} : vector<4096x128xf32>, vector<128x1xf32>, vector<4096x1xf32> -> vector<4096x1xf32>
    %get3A_15 = arith.constant 0 : index
    %get3A_16 = arith.constant 0 : index
    %get3A_17 = vector.load %arg7[%get3A_15, %get3A_16] : memref<1x1xf32, #tpu.memory_space<vmem>>, vector<1x1xf32>
    %add3A_18 = vector.broadcast %get3A_17 : vector<1x1xf32> to vector<4096x1xf32>
    %add3A_19 = arith.addf %dot_general3A_14, %add3A_18 : vector<4096x1xf32>
    %eq3A = arith.cmpf oeq, %add3A_19, %add3A_19 : vector<4096x1xf32>
    %exp3A = math.exp %add3A_19 : vector<4096x1xf32>
    %jit3A = arith.constant 0.000000e+00 : f32
    %broadcast_in_dim3A = vector.broadcast %jit3A : f32 to vector<4096x1xf32>
    %select_n3A = arith.select %eq3A, %exp3A, %broadcast_in_dim3A : vector<4096x1xi1>, vector<4096x1xf32>
    %get3A_20 = arith.constant 0 : index
    %get3A_21 = arith.constant 0 : index
    %get3A_22 = vector.load %arg3[%get3A_20, %get3A_21] : memref<4096x1xf32, #tpu.memory_space<vmem>>, vector<4096x1xf32>
    %mul3A = arith.mulf %select_n3A, %get3A_22 : vector<4096x1xf32>
    %swap3A = arith.constant 0 : index
    %swap3A_23 = arith.constant 0 : index
    %swap3A_24 = vector.load %arg8[%swap3A, %swap3A_23] : memref<4096x1xf32, #tpu.memory_space<vmem>>, vector<4096x1xf32>
    tpu.vector_store %arg8[%swap3A, %swap3A_23], %mul3A {strides = array<i32>} : memref<4096x1xf32, #tpu.memory_space<vmem>>, vector<4096x1xf32>,
    %get3A_25 = arith.constant 0 : index
    %get3A_26 = arith.constant 0 : index
    %get3A_27 = arith.constant 0 : index
    %get3A_28 = vector.load %arg2[%get3A_25, %get3A_26, %get3A_27] : memref<1x1x4096xi32, #tpu.memory_space<vmem>>, vector<1x1x4096xi32>
    %reshape3A = vector.shape_cast %get3A_28 : vector<1x1x4096xi32> to vector<1x4096xi32>
    %iota3A = tpu.iota {dimensions = array<i32: 0>} : vector<256x4096xi32>
    %eq3A_29 = arith.constant 0 : i32
    %eq3A_30 = arith.cmpi eq, %arg0, %eq3A_29 : i32
    %convert_element_type3A = arith.extui %eq3A_30 : i1 to i32
    %cond3A = arith.constant 0 : i32
    %cond3A_31 = arith.cmpi ne, %convert_element_type3A, %cond3A : i32
    scf.if %cond3A_31 {
      %broadcast_in_dim3A_101 = arith.constant 0.000000e+00 : f32
      %broadcast_in_dim3A_102 = vector.broadcast %broadcast_in_dim3A_101 : f32 to vector<512x1xf32>
      %swap3A_103 = arith.constant 0 : index
      %swap3A_104 = arith.constant 0 : index
      %swap3A_105 = vector.load %arg11[%swap3A_103, %swap3A_104] : memref<512x1xf32, #tpu.memory_space<vmem>>, vector<512x1xf32>
      tpu.vector_store %arg11[%swap3A_103, %swap3A_104], %broadcast_in_dim3A_102 {strides = array<i32>} : memref<512x1xf32, #tpu.memory_space<vmem>>, vector<512x1xf32>,
      %broadcast_in_dim3A_106 = arith.constant 0.000000e+00 : f32
      %broadcast_in_dim3A_107 = vector.broadcast %broadcast_in_dim3A_106 : f32 to vector<512x128xf32>
      %swap3A_108 = arith.constant 0 : index
      %swap3A_109 = arith.constant 0 : index
      %swap3A_110 = vector.load %arg9[%swap3A_108, %swap3A_109] : memref<512x128xf32, #tpu.memory_space<vmem>>, vector<512x128xf32>
      tpu.vector_store %arg9[%swap3A_108, %swap3A_109], %broadcast_in_dim3A_107 {strides = array<i32>} : memref<512x128xf32, #tpu.memory_space<vmem>>, vector<512x128xf32>,
      %broadcast_in_dim3A_111 = arith.constant 0.000000e+00 : bf16
      %broadcast_in_dim3A_112 = vector.broadcast %broadcast_in_dim3A_111 : bf16 to vector<4096x256xbf16>
      %swap3A_113 = arith.constant 0 : index
      %swap3A_114 = arith.constant 0 : index
      %swap3A_115 = vector.load %arg12[%swap3A_113, %swap3A_114] : memref<4096x256xbf16, #tpu.memory_space<vmem>>, vector<4096x256xbf16>
      tpu.vector_store %arg12[%swap3A_113, %swap3A_114], %broadcast_in_dim3A_112 {strides = array<i32>} : memref<4096x256xbf16, #tpu.memory_space<vmem>>, vector<4096x256xbf16>,
    } else {
    }
    %get3A_32 = arith.constant 0 : index
    %get3A_33 = arith.constant 0 : index
    %get3A_34 = vector.load %arg1[%get3A_32, %get3A_33] : memref<4096x128xf32, #tpu.memory_space<vmem>>, vector<4096x128xf32>
    %mul3A_35 = vector.broadcast %mul3A : vector<4096x1xf32> to vector<4096x128xf32>
    %mul3A_36 = arith.mulf %get3A_34, %mul3A_35 : vector<4096x128xf32>
    %convert_element_type3A_37 = arith.truncf %mul3A_36 : vector<4096x128xf32> to vector<4096x128xbf16>
    %swap3A_38 = arith.constant 0 : index
    %swap3A_39 = arith.constant 0 : index
    %swap3A_40 = vector.load %arg12[%swap3A_38, %swap3A_39] : memref<4096x256xbf16, #tpu.memory_space<vmem>>, vector<4096x128xbf16>
    tpu.vector_store %arg12[%swap3A_38, %swap3A_39], %convert_element_type3A_37 {strides = array<i32>} : memref<4096x256xbf16, #tpu.memory_space<vmem>>, vector<4096x128xbf16>,
    %convert_element_type3A_41 = arith.truncf %mul3A : vector<4096x1xf32> to vector<4096x1xbf16>
    %swap3A_42 = arith.constant 0 : index
    %swap3A_43 = arith.constant 128 : index
    %swap3A_44 = vector.load %arg12[%swap3A_42, %swap3A_43] : memref<4096x256xbf16, #tpu.memory_space<vmem>>, vector<4096x1xbf16>
    tpu.vector_store %arg12[%swap3A_42, %swap3A_43], %convert_element_type3A_41 {strides = array<i32>} : memref<4096x256xbf16, #tpu.memory_space<vmem>>, vector<4096x1xbf16>,
    %get3A_45 = arith.constant 0 : index
    %get3A_46 = arith.constant 0 : index
    %get3A_47 = vector.load %arg12[%get3A_45, %get3A_46] : memref<4096x256xbf16, #tpu.memory_space<vmem>>, vector<4096x256xbf16>
    %eq3A_48 = vector.broadcast %reshape3A : vector<1x4096xi32> to vector<256x4096xi32>
    %eq3A_49 = arith.cmpi eq, %iota3A, %eq3A_48 : vector<256x4096xi32>
    %convert_element_type3A_50 = arith.extui %eq3A_49 : vector<256x4096xi1> to vector<256x4096xi32>
    %convert_element_type3A_51 = arith.sitofp %convert_element_type3A_50 : vector<256x4096xi32> to vector<256x4096xf32>
    %convert_element_type3A_52 = arith.truncf %convert_element_type3A_51 : vector<256x4096xf32> to vector<256x4096xbf16>
    %dot_general3A_53 = arith.constant dense<0.000000e+00> : vector<256x256xf32>
    %dot_general3A_54 = tpu.matmul %convert_element_type3A_52, %get3A_47, %dot_general3A_53 {dimension_numbers = #tpu.dot_dimension_numbers<[1], [0], [0], [1], [0, 0, 1, 1], [], []>, transpose_lhs_hint = false} : vector<256x4096xbf16>, vector<4096x256xbf16>, vector<256x256xf32> -> vector<256x256xf32>
    %get3A_55 = arith.constant 0 : index
    %get3A_56 = arith.constant 0 : index
    %get3A_57 = vector.load %arg9[%get3A_55, %get3A_56] : memref<512x128xf32, #tpu.memory_space<vmem>>, vector<256x128xf32>
    %slice3A = vector.extract_strided_slice %dot_general3A_54 {offsets = [0, 0], sizes = [256, 128], strides = [1, 1]} : vector<256x256xf32> to vector<256x128xf32>
    %add3A_58 = arith.addf %get3A_57, %slice3A : vector<256x128xf32>
    %swap3A_59 = arith.constant 0 : index
    %swap3A_60 = arith.constant 0 : index
    %swap3A_61 = vector.load %arg9[%swap3A_59, %swap3A_60] : memref<512x128xf32, #tpu.memory_space<vmem>>, vector<256x128xf32>
    tpu.vector_store %arg9[%swap3A_59, %swap3A_60], %add3A_58 {strides = array<i32>} : memref<512x128xf32, #tpu.memory_space<vmem>>, vector<256x128xf32>,
    %get3A_62 = arith.constant 0 : index
    %get3A_63 = arith.constant 0 : index
    %get3A_64 = vector.load %arg11[%get3A_62, %get3A_63] : memref<512x1xf32, #tpu.memory_space<vmem>>, vector<256x1xf32>
    %slice3A_65 = vector.extract_strided_slice %dot_general3A_54 {offsets = [0, 128], sizes = [256, 1], strides = [1, 1]} : vector<256x256xf32> to vector<256x1xf32>
    %add3A_66 = arith.addf %get3A_64, %slice3A_65 : vector<256x1xf32>
    %swap3A_67 = arith.constant 0 : index
    %swap3A_68 = arith.constant 0 : index
    %swap3A_69 = vector.load %arg11[%swap3A_67, %swap3A_68] : memref<512x1xf32, #tpu.memory_space<vmem>>, vector<256x1xf32>
    tpu.vector_store %arg11[%swap3A_67, %swap3A_68], %add3A_66 {strides = array<i32>} : memref<512x1xf32, #tpu.memory_space<vmem>>, vector<256x1xf32>,
    %add3A_70 = arith.constant 256 : i32
    %add3A_71 = vector.broadcast %add3A_70 : i32 to vector<256x4096xi32>
    %add3A_72 = arith.addi %iota3A, %add3A_71 : vector<256x4096xi32>
    %eq3A_73 = vector.broadcast %reshape3A : vector<1x4096xi32> to vector<256x4096xi32>
    %eq3A_74 = arith.cmpi eq, %add3A_72, %eq3A_73 : vector<256x4096xi32>
    %convert_element_type3A_75 = arith.extui %eq3A_74 : vector<256x4096xi1> to vector<256x4096xi32>
    %convert_element_type3A_76 = arith.sitofp %convert_element_type3A_75 : vector<256x4096xi32> to vector<256x4096xf32>
    %convert_element_type3A_77 = arith.truncf %convert_element_type3A_76 : vector<256x4096xf32> to vector<256x4096xbf16>
    %dot_general3A_78 = arith.constant dense<0.000000e+00> : vector<256x256xf32>
    %dot_general3A_79 = tpu.matmul %convert_element_type3A_77, %get3A_47, %dot_general3A_78 {dimension_numbers = #tpu.dot_dimension_numbers<[1], [0], [0], [1], [0, 0, 1, 1], [], []>, transpose_lhs_hint = false} : vector<256x4096xbf16>, vector<4096x256xbf16>, vector<256x256xf32> -> vector<256x256xf32>
    %get3A_80 = arith.constant 256 : index
    %get3A_81 = arith.constant 0 : index
    %get3A_82 = vector.load %arg9[%get3A_80, %get3A_81] : memref<512x128xf32, #tpu.memory_space<vmem>>, vector<256x128xf32>
    %slice3A_83 = vector.extract_strided_slice %dot_general3A_79 {offsets = [0, 0], sizes = [256, 128], strides = [1, 1]} : vector<256x256xf32> to vector<256x128xf32>
    %add3A_84 = arith.addf %get3A_82, %slice3A_83 : vector<256x128xf32>
    %swap3A_85 = arith.constant 256 : index
    %swap3A_86 = arith.constant 0 : index
    %swap3A_87 = vector.load %arg9[%swap3A_85, %swap3A_86] : memref<512x128xf32, #tpu.memory_space<vmem>>, vector<256x128xf32>
    tpu.vector_store %arg9[%swap3A_85, %swap3A_86], %add3A_84 {strides = array<i32>} : memref<512x128xf32, #tpu.memory_space<vmem>>, vector<256x128xf32>,
    %get3A_88 = arith.constant 256 : index
    %get3A_89 = arith.constant 0 : index
    %get3A_90 = vector.load %arg11[%get3A_88, %get3A_89] : memref<512x1xf32, #tpu.memory_space<vmem>>, vector<256x1xf32>
    %slice3A_91 = vector.extract_strided_slice %dot_general3A_79 {offsets = [0, 128], sizes = [256, 1], strides = [1, 1]} : vector<256x256xf32> to vector<256x1xf32>
    %add3A_92 = arith.addf %get3A_90, %slice3A_91 : vector<256x1xf32>
    %swap3A_93 = arith.constant 256 : index
    %swap3A_94 = arith.constant 0 : index
    %swap3A_95 = vector.load %arg11[%swap3A_93, %swap3A_94] : memref<512x1xf32, #tpu.memory_space<vmem>>, vector<256x1xf32>
    tpu.vector_store %arg11[%swap3A_93, %swap3A_94], %add3A_92 {strides = array<i32>} : memref<512x1xf32, #tpu.memory_space<vmem>>, vector<256x1xf32>,
    %eq3A_96 = arith.constant 24 : i32
    %eq3A_97 = arith.cmpi eq, %arg0, %eq3A_96 : i32
    %convert_element_type3A_98 = arith.extui %eq3A_97 : i1 to i32
    %cond3A_99 = arith.constant 0 : i32
    %cond3A_100 = arith.cmpi ne, %convert_element_type3A_98, %cond3A_99 : i32
    scf.if %cond3A_100 {
      %get3A_101 = arith.constant 0 : index
      %get3A_102 = arith.constant 0 : index
      %get3A_103 = vector.load %arg11[%get3A_101, %get3A_102] : memref<512x1xf32, #tpu.memory_space<vmem>>, vector<512x1xf32>
      %swap3A_104 = arith.constant 0 : index
      %swap3A_105 = arith.constant 0 : index
      %swap3A_106 = vector.load %arg10[%swap3A_104, %swap3A_105] : memref<512x1xf32, #tpu.memory_space<vmem>>, vector<512x1xf32>
      tpu.vector_store %arg10[%swap3A_104, %swap3A_105], %get3A_103 {strides = array<i32>} : memref<512x1xf32, #tpu.memory_space<vmem>>, vector<512x1xf32>,
      %get3A_107 = arith.constant 0 : index
      %get3A_108 = arith.constant 0 : index
      %get3A_109 = vector.load %arg9[%get3A_107, %get3A_108] : memref<512x128xf32, #tpu.memory_space<vmem>>, vector<512x128xf32>
      %add3A_110 = arith.constant 1.000000e-16 : f32
      %add3A_111 = vector.broadcast %add3A_110 : f32 to vector<512x1xf32>
      %add3A_112 = arith.addf %get3A_103, %add3A_111 : vector<512x1xf32>
      %div3A = vector.broadcast %add3A_112 : vector<512x1xf32> to vector<512x128xf32>
      %div3A_113 = arith.divf %get3A_109, %div3A : vector<512x128xf32>
      %swap3A_114 = arith.constant 0 : index
      %swap3A_115 = arith.constant 0 : index
      %swap3A_116 = vector.load %arg9[%swap3A_114, %swap3A_115] : memref<512x128xf32, #tpu.memory_space<vmem>>, vector<512x128xf32>
      tpu.vector_store %arg9[%swap3A_114, %swap3A_115], %div3A_113 {strides = array<i32>} : memref<512x128xf32, #tpu.memory_space<vmem>>, vector<512x128xf32>,
    } else {
    }
    return
  }
  func.func @transform_0(%arg0: i32) -> (i32, i32) {
    %c0_i32 = arith.constant 0 : i32
    %c0_i32_0 = arith.constant 0 : i32
    return %arg0, %c0_i32 : i32, i32
  }
  func.func @transform_1(%arg0: i32) -> (i32, i32, i32) {
    %c0_i32 = arith.constant 0 : i32
    %c0_i32_0 = arith.constant 0 : i32
    %c0_i32_1 = arith.constant 0 : i32
    return %arg0, %c0_i32, %c0_i32_0 : i32, i32, i32
  }
  func.func @transform_2(%arg0: i32) -> (i32, i32) {
    %c0_i32 = arith.constant 0 : i32
    %c0_i32_0 = arith.constant 0 : i32
    return %arg0, %c0_i32 : i32, i32
  }
  func.func @transform_3(%arg0: i32) -> (i32, i32) {
    %c0_i32 = arith.constant 0 : i32
    %c0_i32_0 = arith.constant 0 : i32
    %c0_i32_1 = arith.constant 0 : i32
    return %c0_i32, %c0_i32_0 : i32, i32
  }
  func.func @transform_4(%arg0: i32) -> (i32, i32) {
    %c0_i32 = arith.constant 0 : i32
    %c0_i32_0 = arith.constant 0 : i32
    %c0_i32_1 = arith.constant 0 : i32
    return %c0_i32, %c0_i32_0 : i32, i32
  }
  func.func @transform_5(%arg0: i32) -> (i32, i32) {
    %c0_i32 = arith.constant 0 : i32
    %c0_i32_0 = arith.constant 0 : i32
    %c0_i32_1 = arith.constant 0 : i32
    return %c0_i32, %c0_i32_0 : i32, i32
  }
  func.func @transform_6(%arg0: i32) -> (i32, i32) {
    %c0_i32 = arith.constant 0 : i32
    %c0_i32_0 = arith.constant 0 : i32
    %c0_i32_1 = arith.constant 0 : i32
    return %c0_i32, %c0_i32_0 : i32, i32
  }
  func.func @transform_7(%arg0: i32) -> (i32, i32) {
    %c0_i32 = arith.constant 0 : i32
    %c0_i32_0 = arith.constant 0 : i32
    return %arg0, %c0_i32 : i32, i32
  }
  func.func @transform_8(%arg0: i32) -> (i32, i32) {
    %c0_i32 = arith.constant 0 : i32
    %c0_i32_0 = arith.constant 0 : i32
    %c0_i32_1 = arith.constant 0 : i32
    return %c0_i32, %c0_i32_0 : i32, i32
  }
  func.func @transform_9(%arg0: i32) -> (i32, i32) {
    %c0_i32 = arith.constant 0 : i32
    %c0_i32_0 = arith.constant 0 : i32
    %c0_i32_1 = arith.constant 0 : i32
    return %c0_i32, %c0_i32_0 : i32, i32
  }
}

</mosaic_0001>

<sc_bundles>
// kernel: kernel.4.cloned.1.call-start
scs
__scs_entry_jumppad:
0x0: {  	(pc) =	sbr.rel $0x88, $3  }
0x1: {  	(tag) =	ssettag $0x0;
	lr =	simm.s32 $0x1  }
0x2: {  	[smem:$0x3F9B] =	sst lr;
	_ =	strace $0xD0000000  }
0x3: {  	_ = 	snop  }
0x4: {  	_ = 	snop  }
0x5: {  	_ = 	snop  }
0x6: {  	_ = 	snop  }
0x7: {  	_ = 	snop  }
__scs_overlays_trampoline_lowered:
0x8: {  	[smem:$0x3FAA] =	sst s0  }
0x9: {  	[smem:$0x3FAB] =	sst s1  }
0xa: {  	[smem:$0x3FAC] =	sst s2  }
0xb: {  	[smem:$0x3FAD] =	sst s3  }
0xc: {  	[smem:$0x3FAE] =	sst s4  }
0xd: {  	[smem:$0x3FAF] =	sst s5  }
0xe: {  	[smem:$0x3FB0] =	sst s6  }
0xf: {  	[smem:$0x3FB1] =	sst s7  }
0x10: {  	[smem:$0x3FB2] =	sst s8  }
0x11: {  	[smem:$0x3FB3] =	sst s9;
	s0 =	simm.s32 @!p0 $0x0  }
0x12: {  	s1 =	sld [smem:$0x3F99];
	s0 =	simm.s32 @p0 $0x1  }
0x13: {  	[smem:$0x3FB4] =	sst s0;
	s0 =	simm.s32 @!p1 $0x0  }
0x14: {  	s2 =	sld [smem:$0x3F98];
	s0 =	simm.s32 @p1 $0x1  }
0x15: {  	[smem:$0x3FB5] =	sst s0;
	s0 =	simm.s32 @!p2 $0x0  }
0x16: {  	s3 =	sld [smem:$0x3FDB];
	s0 =	simm.s32 @p2 $0x1  }
0x17: {  	s4 =	simm.s32 $0x1BF5;
	[smem:$0x3FB7] =	sst s0  }
0x18: {  	s0 =	sld [smem:$0x3F9A];
	_ =	swait.ge [sflag:s4], $0x0  }
0x19: {  	s7 =	sld [smem:$0x3F9B]  }
0x1a: {  	s8 =	sadd.s32 $0xFFFFE003, lr  }
0x1b: {  	s9 =	sadd.s32 $0xFFFFFEF7, lr;
	s5 =	simm.s32 $0xFFFFFFFF;
	p2 =	slt.u32 s8, $0xFFFFF086  }
0x1c: {  	p1 =	slt.u32 s9, $0xF7A;
	s5 =	simm.s32 @!p2 $0x0  }
0x1d: {  	s5 =	simm.s32 @p1 $0x1;
	p0 =	seq.s32 s7, s2  }
0x1e: {  	s7 =	smul.u32 @!p0 $0xF7A, s2;
	p2 =	seq.s32 @!p0 s5, $0x0  }
0x1f: {  	s9 =	smul.u32 $0xF7A, s1;
	s8 =	simm.s32 @!p0 $0x1BF5;
	p2 =	por !p2, p0  }
0x20: {  	[sflag:s8] =	ssyncset.s32 @!p0 $0xFFFFF086;
	s6 =	sadd.s32 @!p0 s3, s7;
	s7 =	simm.s32 @!p0 $0x108  }
0x21: {  	s3 =	sadd.s32 s3, s9;
	s6 =	sadd.s32 @!p0 $0x88, s6;
	s7 =	simm.s32 @p2 $0x1082  }
0x22: {  	[simem:s7], [sflag:s8] =	dma.local @!p0 [hbm:s6], $0xF7A  }
0x23: {  	s9 =	sor.u32 $0xD0000000, s2;
	s6 =	simm.s32 $0x108;
	_ =	swait.ge @!p0 [sflag:s8], $0x0  }
0x24: {  	s3 =	sadd.s32 $0x88, s3;
	s6 =	simm.s32 @!p1 $0x1082;
	[sflag:s4] =	ssyncset.s32 $0xFFFFF086  }
0x25: {  	[simem:s6], [sflag:s4] =	dma.local [hbm:s3], $0xF7A  }
0x26: {  	[smem:$0x3F9B] =	sst s1;
	(tag) =	ssettag s2;
	_ =	strace s9  }
0x27: {  	s1 =	sld [smem:$0x3FAB]  }
0x28: {  	s2 =	sld [smem:$0x3FAC]  }
0x29: {  	s4 =	sld [smem:$0x3FAE]  }
0x2a: {  	p0 =	seq.s32 s5, $0x0;
	s5 =	sld [smem:$0x3FAF]  }
0x2b: {  	s6 =	sld [smem:$0x3FB0]  }
0x2c: {  	s7 =	sld [smem:$0x3FB1]  }
0x2d: {  	s3 =	simm.s32 $0x108;
	s8 =	sld [smem:$0x3FB2]  }
0x2e: {  	s3 =	simm.s32 @!p0 $0x1082;
	s9 =	sld [smem:$0x3FB3]  }
0x2f: {  	lr =	sadd.s32 s0, s3;
	s0 =	sld [smem:$0x3FAA]  }
0x30: {  	s3 =	sld [smem:$0x3FAD]  }
0x31: {  	[smem:$0x3FB6] =	sst s10  }
0x32: {  	s10 =	sld [smem:$0x3FB4];
	_ =	sdelay $0x3  }
0x33: {  	p0 =	seq.s32 s10, $0x1;
	s10 =	sld [smem:$0x3FB6];
	_ =	sdelay $0x3  }
0x34: {  	[smem:$0x3FB6] =	sst s10  }
0x35: {  	s10 =	sld [smem:$0x3FB5];
	_ =	sdelay $0x3  }
0x36: {  	p1 =	seq.s32 s10, $0x1;
	s10 =	sld [smem:$0x3FB6];
	_ =	sdelay $0x3  }
0x37: {  	[smem:$0x3FB6] =	sst s10  }
0x38: {  	s10 =	sld [smem:$0x3FB7]  }
0x39: {  	_ = 	snop;
	(pc) =	sbr.ind lr, $3  }
0x3a: {  	_ = 	snop  }
0x3b: {  	_ = 	snop  }
0x3c: {  	p2 =	seq.s32 s10, $0x1;
	s10 =	sld [smem:$0x3FB6]  }
0x3d: {  	_ =	shalt  }
0x3e: {  	_ =	shalt  }
0x3f: {  	_ =	shalt  }
0x40: {  	_ =	shalt  }
0x41: {  	_ =	shalt  }
0x42: {  	_ =	shalt  }
0x43: {  	_ =	shalt  }
0x44: {  	_ =	shalt  }
0x45: {  	_ =	shalt  }
0x46: {  	_ =	shalt  }
0x47: {  	_ =	shalt  }
0x48: {  	_ =	shalt  }
0x49: {  	_ =	shalt  }
0x4a: {  	_ =	shalt  }
0x4b: {  	_ =	shalt  }
0x4c: {  	_ =	shalt  }
0x4d: {  	_ =	shalt  }
0x4e: {  	_ =	shalt  }
0x4f: {  	_ =	shalt  }
0x50: {  	_ =	shalt  }
0x51: {  	_ =	shalt  }
0x52: {  	_ =	shalt  }
0x53: {  	_ =	shalt  }
0x54: {  	_ =	shalt  }
0x55: {  	_ =	shalt  }
0x56: {  	_ =	shalt  }
0x57: {  	_ =	shalt  }
0x58: {  	_ =	shalt  }
0x59: {  	_ =	shalt  }
0x5a: {  	_ =	shalt  }
0x5b: {  	_ =	shalt  }
0x5c: {  	_ =	shalt  }
0x5d: {  	_ =	shalt  }
0x5e: {  	_ =	shalt  }
0x5f: {  	_ =	shalt  }
0x60: {  	_ =	shalt  }
0x61: {  	_ =	shalt  }
0x62: {  	_ =	shalt  }
0x63: {  	_ =	shalt  }
0x64: {  	_ =	shalt  }
0x65: {  	_ =	shalt  }
0x66: {  	_ =	shalt  }
0x67: {  	_ =	shalt  }
0x68: {  	_ =	shalt  }
0x69: {  	_ =	shalt  }
0x6a: {  	_ =	shalt  }
0x6b: {  	_ =	shalt  }
0x6c: {  	_ =	shalt  }
0x6d: {  	_ =	shalt  }
0x6e: {  	_ =	shalt  }
0x6f: {  	_ =	shalt  }
0x70: {  	_ =	shalt  }
0x71: {  	_ =	shalt  }
0x72: {  	_ =	shalt  }
0x73: {  	_ =	shalt  }
0x74: {  	_ =	shalt  }
0x75: {  	_ =	shalt  }
0x76: {  	_ =	shalt  }
0x77: {  	_ =	shalt  }
0x78: {  	_ =	shalt  }
0x79: {  	_ =	shalt  }
0x7a: {  	_ =	shalt  }
0x7b: {  	_ =	shalt  }
0x7c: {  	_ =	shalt  }
0x7d: {  	_ =	shalt  }
0x7e: {  	_ =	shalt  }
0x7f: {  	_ =	shalt  }
0x80: {  	_ =	shalt  }
0x81: {  	_ =	shalt  }
0x82: {  	_ =	shalt  }
0x83: {  	_ =	shalt  }
0x84: {  	_ =	shalt  }
0x85: {  	_ =	shalt  }
0x86: {  	_ =	shalt  }
0x87: {  	_ =	shalt  }
.Lfunc_end0:
.L_simem_size_0:
called_computation_lowered:
.L_overlay_start_0:
0x88: {  	s2 =	sld [smem:$0x3FD9]  }
0x89: {  	s3 =	sld [smem:$0x3FFE];
	_ =	sdelay $0x1  }
0x8a: {  	s1 =	srdreg.scid  }
0x8b: {  	s0 =	sand.u32 $0x1, s1  }
0x8c: {  	s14 =	sshll.u32 s0, $0xA;
	s2 =	sadd.s32 s3, s2  }
0x8d: {  	s2 =	sadd.s32 s2, s14  }
0x8e: {  	[smem:$0x3FC2] =	sst s2  }
0x8f: {  	_ = 	snop  }
0x90: {  	s2 =	sld [smem:$0x3FD0];
	_ =	sdelay $0x2  }
0x91: {  	s15 =	simm.s32 $0xA;
	s4 =	simm.s32 $0x10  }
0x92: {  	[smem:s4], [sflag:s15] =	dma.local [hbm:s2], $0x1  }
0x93: {  	_ =	swait.eq [sflag:s15], $0x1  }
0x94: {  	[sflag:s15] =	ssyncset.done $0x0  }
0x95: {  	[sflag:s15] =	ssyncadd.s32 $0xFFFFFFFF  }
0x96: {  	s16 =	sld [smem:$0x11];
	(tm) =	ssettm $0x1  }
0x97: {  	s17 =	sld [smem:$0x3FFB];
	_ =	sdelay $0x3  }
0x98: {  	_ =	strace s17  }
0x99: {  	s3 =	sld [smem:$0x3FFC];
	_ =	sdelay $0x3  }
0x9a: {  	_ =	strace s3  }
0x9b: {  	s3 =	sld [smem:$0x3FFD];
	_ =	sdelay $0x3  }
0x9c: {  	_ =	strace s3  }
0x9d: {  	_ =	strace $0x8FFFFFFF  }
0x9e: {  	s18 =	sld [smem:$0x3FDB];
	_ =	sdelay $0x1  }
0x9f: {  	s19 =	simm.s32 $_scs_section_size  }
0xa0: {  	s5 =	simm.s32 $_size__tile_overlayer_lowered;
	s6 =	simm.s32 $_tile_overlayer_lowered  }
0xa1: {  	s22 =	simm.s32 $0x1BFF;
	s21 =	sshll.u32 s6, $0x1;
	s3 =	sadd.s32 s19, s18  }
0xa2: {  	s7 =	simm.s32 $0x0;
	s20 =	sshll.u32 s5, $0x1;
	s5 =	sadd.s32 s21, s3  }
0xa3: {  	[timem:s7], [sflag:s22] =	dma.local [hbm:s5], s20  }
0xa4: {  	_ =	swait.ge [sflag:s22], s20  }
0xa5: {  	s4 =	ssub.s32 $0x0, s20;
	[sflag:s22] =	ssyncset.done $0x0  }
0xa6: {  	[sflag:s22] =	ssyncadd.s32 s4;
	_ =	sdelay $0x1  }
0xa7: {  	s23 =	simm.s32 $0x1B8B  }
0xa8: {  	_ =	swait.ge [sflag:s23], $0x1  }
0xa9: {  	[sflag:s23] =	ssyncset.done $0x0  }
0xaa: {  	s25 =	simm.s32 $0x1B8E;
	s24 =	sld [smem:$0x3FFE];
	[sflag:s23] =	ssyncadd.s32 $0xFFFFFFFF  }
0xab: {  	s26 =	simm.s32 $execute0_lowered;
	[smem:$0x3FD2] =	sst s25  }
0xac: {  	s5 =	sshll.u32 s26, $0x1;
	_ =	strace $0x80000046;
	[dreg:$0x1] =	wrdreg $0xFFFFFFFF  }
0xad: {  	s28 =	simm.s32 $_size_execute0_lowered;
	s3 =	sadd.s32 s3, s5;
	[dreg:$0x0] =	wrdreg $0x0  }
0xae: {  	s5 =	sshll.u32 s28, $0x1;
	[dreg:$0x2] =	wrdreg s3  }
0xaf: {  	[dreg:$0x3] =	wrdreg s5  }
0xb0: {  	[dreg:$0x4] =	wrdreg $0xC0  }
0xb1: {  	_ =	task [dreg:s7], $0x5FFFF  }
0xb2: {  	[dreg:$0x1] =	wrdreg $0xFFFFFFFF  }
0xb3: {  	[dreg:$0x0] =	wrdreg $0x60  }
0xb4: {  	[dreg:$0x2] =	wrdreg s24  }
0xb5: {  	[dreg:$0x3] =	wrdreg s16  }
0xb6: {  	[dreg:$0x4] =	wrdreg $0x25800  }
0xb7: {  	[dreg:$0x5] =	wrdreg $0x9  }
0xb8: {  	_ =	task.clear_ibuf [dreg:s7], $0x6FFFF;
	_ =	strace $0x90000046  }
0xb9: {  	s29 =	simm.s32 $0x9;
	_ =	strace $0x80000048  }
0xba: {  	_ =	swait.ge [sflag:s29], $0x1  }
0xbb: {  	[sflag:s29] =	ssyncadd.s32 $0xFFFFFFFF  }
0xbc: {  	_ =	strace $0x90000048  }
0xbd: {  	_ =	sfence  }
0xbe: {  	s30 =	sld [smem:$0x0];
	_ =	sdelay $0x2  }
0xbf: {  	s31 =	sshll.u32 s1, $0xD;
	s1 =	sshrl.u32 s1, $0x2  }
0xc0: {  	s3 =	sand.u32 $0x4000, s31;
	s1 =	sadd.s32 s1, s30  }
0xc1: {  	s0 =	sor.u32 s3, s0;
	s1 =	sshll.u32 s1, $0x11  }
0xc2: {  	s0 =	sor.u32 s1, s0  }
0xc3: {  	s0 =	sadd.s32 $0x8F2B, s0  }
0xc4: {  	[sflag:s0] =	ssyncadd.remote.s32 $0x1  }
0xc5: {  	_ =	sfence.sel $0xFFFF  }
0xc6: {  	[dreg:$0x0] =	wrdreg $0xFFFFFFFF;
	(pc) =	sbr.abs _section_cstart, $3  }
0xc7: {  	[dreg:$0x1] =	wrdreg $0xFFFFFFFF  }
0xc8: {  	_ =	task.clear_ibuf [dreg:s7], $0x2FFFF;
	_ =	strace $0x9FFFFFFF  }
0xc9: {  	(tm) =	ssettm $0x7FFFFFFF  }
tec
execute0_lowered:
.L_overlay_start_1:
0x0: {  	(tag) =	ssettag $0x1  }
0x1: {  	s4 =	rddreg [dreg:$0x0];
	s0 =	srdreg.scid  }
0x2: {  	s8 =	stileid.u32;
	s1 =	rddreg [dreg:$0x1]  }
0x3: {  	s2 =	rddreg [dreg:$0x2];
	s3 =	simm.s32 $0x0;
	s9 =	simm.s32 $0xC80  }
0x4: {  	s10 =	simm.s32 $0x2;
	s11 =	simm.s32 $0x1900;
	s12 =	simm.s32 $0x1  }
0x5: {  	s13 =	simm.s32 $0x0;
	s5 =	sand.u32 $0x1, s0;
	s30 =	sshll.u32 s8, $0x1  }
0x6: {  	s0 =	rddreg [dreg:$0x3];
	s6 =	sor.u32 s5, s30;
	s5 =	ssub.s32 $0x2, s5  }
0x7: {  	[smem:$0x7FF] =	sst s3;
	s6 =	smul.u32 $0x190, s6;
	s31 =	sshrl.u32 s5, $0x1  }
0x8: {  	p0 =	sne.s32 s8, $0x0;
	_ =	strace $0x80000047;
	s7 =	ssub.s32 s5, s31  }
0x9: {  	s8 =	sshrl.u32 @!p0 s2, $0x3;
	s6 =	sadd.s32 s6, s4;
	s7 =	smax.u32 s7, $0x1  }
0xa: {  	s4 =	sadd.s32 $0x190600, s6;
	s5 =	sadd.s32 $0x600, s6;
	s6 =	sadd.s32 $0x3800, s6  }
.LBB2_1:
0xb: {  	s14 =	simm.s32 @!p0 $0x1C02  }
0xc: {  	[spmem:s8], [sflag:s14] =	dma.local @!p0 [hbm:s1], $0x40  }
0xd: {  	s14 =	simm.s32 @!p0 $0x2  }
0xe: {  	_ =	swait.ge @!p0 [sflag:s14], $0x40  }
0xf: {  	[sflag:s14] =	ssyncset.done @!p0 $0x0  }
0x10: {  	[sflag:s14] =	ssyncadd.s32 @!p0 $0xFFFFFFC0  }
0x11: {  	[tilespmem:s9], [sflag:$0x2] =	stream.linear.gather [hbm4b:s4+s3], $0xC80, $0x38;
	[tilespmem:$0x25A0] =	vst v63  }
0x12: {  	_ =	swait.ge [sflag:s10], $0xC80  }
0x13: {  	[sflag:s10] =	ssyncset.done $0x0  }
0x14: {  	[sflag:s10] =	ssyncadd.s32 $0xFFFFF380  }
0x15: {  	[bflag:$0x0] =	sbarrier.arrive $0xFFFF  }
0x16: {  	[tilespmem:s11], [sflag:$0x1] =	stream.indirect.gather [spmem:s2], $0x1, s9, s9, $0xb8;
	[tilespmem:$0x25A0] =	vst v63  }
0x17: {  	_ = 	snop  }
0x18: {  	[tilespmem:s3], [sflag:$0x2] =	stream.linear.gather [hbm4b:s5+s3], $0xC80, $0x38;
	[tilespmem:$0x25A0] =	vst v63  }
0x19: {  	_ =	swait.ge [sflag:s10], $0xC80  }
0x1a: {  	[sflag:s10] =	ssyncset.done $0x0  }
0x1b: {  	[sflag:s10] =	ssyncadd.s32 $0xFFFFF380  }
0x1c: {  	_ =	swait.ge [sflag:s12], $0xC80  }
0x1d: {  	[sflag:s12] =	ssyncset.done $0x0  }
0x1e: {  	s15 =	simm.s32 $0x0;
	[sflag:s12] =	ssyncadd.s32 $0xFFFFF380  }
0x1f: {  	v0 =	vld [tilespmem:s15+$0x1900];
	_ =	sdelay $0x4  }
0x20: {  	v0 =	vadd.f32 $1.000000020e-16, v0  }
0x21: {  	s14 =	simm.s32 $0x10  }
0x22: {  	v1 =	vld [tilespmem:s14+$0x1900];
	(erf) = vrcp.f32 v0;
	_ =	sdelay $0x4  }
0x23: {  	v1 =	vadd.f32 $1.000000020e-16, v1;
	v0 =	vld [tilespmem:s15+$0x0];
	_ =	sdelay $0x1  }
0x24: {  	(erf) = vrcp.f32 v1  }
0x25: {  	s16 =	simm.s32 $0x20;
	s17 =	simm.s32 $0xC0  }
.LBB2_2:
0x26: {  	p1 =	sne.s32 s17, $0x31C0;
	v1 =	vld [tilespmem:s16+$0x1900];
	v2 =	vpop (erf)  }
0x27: {  	v0 =	vmul.f32 v2, v0;
	_ =	sdelay $0x1  }
.Ltmp0:
0x28: {  	[tilespmem:s15+$0x0] =	vst v0;
	s15 =	smov.u32 s14;
	s14 =	smov.u32 s16;
	(pc) =	sbr.rel @p1 .LBB2_2-.Ltmp0, $3  }
0x29: {  	v0 =	vld [tilespmem:s15+$0x0]  }
0x2a: {  	v1 =	vadd.f32 $1.000000020e-16, v1;
	_ =	sdelay $0x1  }
0x2b: {  	s16 =	sshra.s32 s17, $0x2;
	s17 =	sadd.s32 $0x40, s17;
	(erf) = vrcp.f32 v1  }
0x2c: {  	v1 =	vld [tilespmem:s16+$0x1900];
	v2 =	vpop (erf)  }
0x2d: {  	v0 =	vmul.f32 v2, v0;
	_ =	sdelay $0x1  }
0x2e: {  	[tilespmem:s15+$0x0] =	vst v0  }
0x2f: {  	v0 =	vld [tilespmem:s14+$0x0]  }
0x30: {  	v1 =	vadd.f32 $1.000000020e-16, v1;
	_ =	sdelay $0x1  }
0x31: {  	(erf) = vrcp.f32 v1  }
0x32: {  	v62 =	vpop (erf)  }
0x33: {  	v0 =	vmul.f32 v62, v0;
	_ =	sdelay $0x1  }
0x34: {  	[tilespmem:s14+$0x0] =	vst v0  }
0x35: {  	v0 =	vld [tilespmem:s16+$0x0];
	_ =	sdelay $0x3  }
0x36: {  	v63 =	vpop (erf)  }
0x37: {  	s13 =	sadd.s32 $0x1, s13;
	v0 =	vmul.f32 v63, v0  }
0x38: {  	p1 =	sne.s32 s13, s7  }
.Ltmp1:
0x39: {  	[tilespmem:s16+$0x0] =	vst v0;
	(pc) =	sbr.rel @p1 .LBB2_1-.Ltmp1, $4  }
0x3a: {  	[hbm4b:s6+s3] =	stream.linear.scatter [tilespmem:s3], [sflag:$0x2], $0xC80, $0x38;
	[tilespmem:$0x25A0] =	vst v63  }
0x3b: {  	_ =	swait.ge [sflag:s10], $0xC80  }
0x3c: {  	[sflag:s10] =	ssyncset.done $0x0  }
0x3d: {  	[sflag:s10] =	ssyncadd.s32 $0xFFFFF380  }
0x3e: {  	_ =	sfence.sel $0x180000  }
0x3f: {  	[bflag:$0x0] =	sbarrier.arrive $0xFFFF  }
0x40: {  	_ =	strace $0x90000047  }
0x41: {  	s0 =	sadd.s32 @!p0 $0x100000, s0;
	[bflag:$0x2] =	sbarrier.arrive $0xFFFF  }
0x42: {  	[sflag:s0] =	ssyncadd.tile.s32 @!p0 $0x1;
	_ =	shalt  }
.Lfunc_end2:
_tile_overlayer_lowered:
.L_overlay_start_2:
0x43: {  	(tag) =	ssettag $0x2  }
0x44: {  	s0 =	rddreg [dreg:$0x0];
	s2 =	stileid.u32  }
0x45: {  	s1 =	rddreg [dreg:$0x1];
	p0 =	sne.s32 s2, $0x0  }
0x46: {  	s3 =	rddreg [dreg:$0x2];
	[bflag:$0x3] =	sbarrier.arrive $0xFFFF;
	s2 =	simm.s32 @!p0 $0x1C02  }
0x47: {  	[timem:s3], [sflag:s2] =	dma.local @!p0 [hbm:s0], s1  }
0x48: {  	s0 =	simm.s32 @!p0 $0x2  }
0x49: {  	_ =	swait.ge @!p0 [sflag:s0], s1  }
0x4a: {  	s1 =	ssub.s32 @!p0 $0x0, s1;
	[sflag:s0] =	ssyncset.done @!p0 $0x0  }
0x4b: {  	[sflag:s0] =	ssyncadd.s32 @!p0 s1  }
0x4c: {  	[bflag:$0x3] =	sbarrier.arrive $0xFFFF  }
0x4d: {  	_ =	shalt  }

</sc_bundles>
